<compile_context>
chip_gen: v7x
topology: tpu7x:2x2x1
jax: 0.10.2.dev20260603
libtpu: 0.0.44.dev20260713+nightly
codegen_flags: <defaults>
</compile_context>

<pallas_src>
import functools

import jax
import jax.numpy as jnp
from jax import lax
from jax.experimental import pallas as pl
from jax.experimental.pallas import tpu as pltpu
from jax.experimental.pallas import tpu_sc as plsc

_NBLOCKS = 64
_NATOMS = 1536
_IDEAL = 4.0
_CONST_SCORE = 0.1


def _rsqrt_nr(x, one_i):
    i = plsc.bitcast(x, jnp.int32)
    i = jnp.int32(0x5F3759DF) - lax.shift_right_logical(i, one_i)
    y = plsc.bitcast(i, jnp.float32)
    for _ in range(2):
        y = y * (1.5 - 0.5 * x * y * y)
    return y


def _body(coords_hbm, off_hbm, out_hbm, coords_v, off_v, scr_v, out_v, sem_c, sem_o):
    cp_c = pltpu.async_copy(coords_hbm, coords_v, sem_c)
    cp_o = pltpu.async_copy(off_hbm, off_v, sem_o)
    cp_o.wait()
    cp_c.wait()

    lane = lax.broadcasted_iota(jnp.int32, (16,), 0)
    active = lane < 2
    zero_i = lane * 0
    one = zero_i + 1
    two = zero_i + 2

    a1_res = jnp.where(lane == 1, one, zero_i)
    a2_res = jnp.where(active, lane + 1, zero_i)
    a2_atom = jnp.where(active, one, zero_i)

    g1 = plsc.load_gather(off_v, [a1_res])
    g2 = plsc.load_gather(off_v, [a2_res]) + a2_atom
    e1 = g1 * 3
    e2 = g2 * 3

    dx = plsc.load_gather(coords_v, [e1]) - plsc.load_gather(coords_v, [e2])
    dy = plsc.load_gather(coords_v, [e1 + one]) - plsc.load_gather(coords_v, [e2 + one])
    dz = plsc.load_gather(coords_v, [e1 + two]) - plsc.load_gather(coords_v, [e2 + two])

    d2 = dx * dx + dy * dy + dz * dz
    d2 = jnp.where(active, d2, 1.0)
    dist = d2 * _rsqrt_nr(d2, one)
    dev = dist - _IDEAL
    half = jnp.where(active, 0.5 * (dev * dev), 0.0)

    scr_v[...] = half
    fifteen = zero_i + 15
    idx_a = jnp.where(active, zero_i, jnp.where(lane == 2, one, fifteen))
    idx_b = jnp.where(lane == 1, one, fifteen)
    row0 = (
        plsc.load_gather(scr_v, [idx_a])
        + plsc.load_gather(scr_v, [idx_b])
        + jnp.where(active, 0.5 * _CONST_SCORE, 0.0)
    )

    zero = jnp.zeros((16,), jnp.float32)
    out_v[pl.ds(0, 16)] = row0
    out_v[pl.ds(16, 16)] = zero
    out_v[pl.ds(32, 16)] = zero
    out_v[pl.ds(48, 16)] = zero
    pltpu.sync_copy(out_v, out_hbm)


_sc_call = functools.partial(
    pl.kernel,
    out_type=jax.ShapeDtypeStruct((_NBLOCKS,), jnp.float32),
    mesh=plsc.VectorSubcoreMesh(
        core_axis_name="c", subcore_axis_name="s", num_cores=1, num_subcores=1
    ),
    compiler_params=pltpu.CompilerParams(needs_layout_passes=False),
    scratch_types=[
        pltpu.VMEM((_NATOMS * 3,), jnp.float32),
        pltpu.VMEM((_NBLOCKS,), jnp.int32),
        pltpu.VMEM((16,), jnp.float32),
        pltpu.VMEM((_NBLOCKS,), jnp.float32),
        pltpu.SemaphoreType.DMA,
        pltpu.SemaphoreType.DMA,
    ],
)(_body)


def kernel(coords, pose_stack_block_coord_offset):
    flat = coords.reshape(-1)
    offs = pose_stack_block_coord_offset.reshape(-1)
    scores = _sc_call(flat, offs)
    return scores.reshape(1, 1, _NBLOCKS)

# --- scband reference (transcript-rebuilt; emitter-appended) ---
"""Pipeline reference for scband-constraint-whole-pose-scoring-module-27118423507731 (READ-ONLY COPY).

The authoritative reference and input builder live on the scoring server;
editing this copy changes nothing except your own understanding.
"""

import jax, jax.numpy as jnp
import numpy as np


def setup_inputs(seed: int = 0) -> dict:
    key = jax.random.key(seed)
    coords = jax.random.normal(key, (1, 1536, 3), dtype=jnp.float32) * 10.0
    pose_stack_block_coord_offset = (jnp.arange(64, dtype=jnp.int32) * 24)[None, :]
    return {"coords": coords, "pose_stack_block_coord_offset": pose_stack_block_coord_offset}


def _forward(coords, pose_stack_block_coord_offset):
    cnstrs = np.zeros((3, 2, 2), dtype=np.int32)
    cnstrs[0, 0, 0] = 0; cnstrs[0, 0, 1] = 0; cnstrs[0, 1, 0] = 1; cnstrs[0, 1, 1] = 1
    cnstrs[1, 0, 0] = 1; cnstrs[1, 0, 1] = 0; cnstrs[1, 1, 0] = 2; cnstrs[1, 1, 1] = 1
    cnstrs[2, 0, 0] = 0; cnstrs[2, 0, 1] = 0; cnstrs[2, 1, 0] = 1; cnstrs[2, 1, 1] = 1
    atom_residue_indices = jnp.asarray(cnstrs[:, :, 0].flatten())
    atom_atom_indices = jnp.asarray(cnstrs[:, :, 1].flatten())
    # computed in the original forward (unused downstream), kept for faithfulness
    atom_global_atom_indices = jnp.take(pose_stack_block_coord_offset, atom_residue_indices, axis=1)[0] + atom_atom_indices
    atom1_residue_indices = jnp.asarray(cnstrs[:, 0, 0])
    atom1_atom_indices = jnp.asarray(cnstrs[:, 0, 1])
    atom2_residue_indices = jnp.asarray(cnstrs[:, 1, 0])
    atom2_atom_indices = jnp.asarray(cnstrs[:, 1, 1])
    atom1_global = jnp.take(pose_stack_block_coord_offset, atom1_residue_indices, axis=1)[0] + atom1_atom_indices
    atom2_global = jnp.take(pose_stack_block_coord_offset, atom2_residue_indices, axis=1)[0] + atom2_atom_indices
    ideal = 4.0
    harm = lambda a1, a2: (jnp.sqrt(((a1 - a2) ** 2).sum(2)) - ideal) ** 2
    consta = lambda a1, a2: jnp.full_like(a1.sum(2), 0.1)
    lambdas = [harm, consta]
    constr_fns = np.array([0, 0, 1], dtype=np.int32)
    c = coords[0]
    atom1_coords = jnp.take(c, atom1_global, axis=0)
    atom2_coords = jnp.take(c, atom2_global, axis=0)
    n_cnstrs = 3
    cnstr_scores = jnp.zeros((n_cnstrs,), dtype=jnp.float32)
    for ind, lam in enumerate(lambdas):
        c_inds = np.nonzero(constr_fns == ind)[0]  # static partition of constraints by type
        a1 = atom1_coords[c_inds][:, None, :]
        a2 = atom2_coords[c_inds][:, None, :]
        result = lam(a1, a2)
        cnstr_scores = cnstr_scores.at[c_inds].add(result[:, 0])
    nblocks = pose_stack_block_coord_offset.shape[1]
    flat = jnp.zeros((nblocks * nblocks,), dtype=jnp.float32)
    indices1 = atom1_residue_indices * nblocks + atom2_residue_indices
    indices2 = atom2_residue_indices * nblocks + atom1_residue_indices
    flat = flat.at[indices1].add(cnstr_scores / 2)
    flat = flat.at[indices2].add(cnstr_scores / 2)
    block_scores = flat.reshape(nblocks, nblocks)
    scores = jnp.sum(block_scores, axis=1)
    return scores[None, None, :]


def reference(coords, pose_stack_block_coord_offset):
    return _forward(coords, pose_stack_block_coord_offset)

if __name__ == "__main__":
    import jax
    _d = setup_inputs()
    print(jax.jit(kernel)(*tuple(_d.values())))

</pallas_src>

<mosaic_0001>
#map = affine_map<(d0, d1) -> (0)>
module attributes {stable_mosaic.version = 14 : i64} {
  func.func @_body(%arg0: i32, %arg1: i32, %arg2: memref<4608xf32, #tpu.memory_space<hbm>>, %arg3: memref<64xi32, #tpu.memory_space<hbm>>, %arg4: memref<64xf32, #tpu.memory_space<hbm>>, %arg5: memref<4608xf32, #tpu.memory_space<vmem>>, %arg6: memref<64xi32, #tpu.memory_space<vmem>>, %arg7: memref<16xf32, #tpu.memory_space<vmem>>, %arg8: memref<64xf32, #tpu.memory_space<vmem>>, %arg9: memref<!tpu.dma_semaphore, #tpu.memory_space<semaphore_mem>>, %arg10: memref<!tpu.dma_semaphore, #tpu.memory_space<semaphore_mem>>) attributes {dimension_semantics = [#tpu.dimension_semantics<core_parallel>, #tpu.dimension_semantics<subcore_parallel>], iteration_bounds = array<i64: 1, 1>, scalar_prefetch = 0 : i64, scratch_operands = 6 : i64, tpu.core_type = #tpu.core_type<sc_vector_subcore>, window_params = [{transform_indices = #map}, {transform_indices = #map}, {transform_indices = #map}]} {
    tpu.enqueue_dma source(%arg2 : memref<4608xf32, #tpu.memory_space<hbm>>) target(%arg5 : memref<4608xf32, #tpu.memory_space<vmem>>) target_semaphore(%arg9 : memref<!tpu.dma_semaphore, #tpu.memory_space<semaphore_mem>>)
    tpu.enqueue_dma source(%arg3 : memref<64xi32, #tpu.memory_space<hbm>>) target(%arg6 : memref<64xi32, #tpu.memory_space<vmem>>) target_semaphore(%arg10 : memref<!tpu.dma_semaphore, #tpu.memory_space<semaphore_mem>>)
    tpu.wait_dma2 semaphore(%arg10 : memref<!tpu.dma_semaphore, #tpu.memory_space<semaphore_mem>>) src(%arg3 : memref<64xi32, #tpu.memory_space<hbm>>) dst(%arg6 : memref<64xi32, #tpu.memory_space<vmem>>)
    tpu.wait_dma2 semaphore(%arg9 : memref<!tpu.dma_semaphore, #tpu.memory_space<semaphore_mem>>) src(%arg2 : memref<4608xf32, #tpu.memory_space<hbm>>) dst(%arg5 : memref<4608xf32, #tpu.memory_space<vmem>>)
    %iota3A = tpu.iota {dimensions = array<i32: 0>} : vector<16xi32>
    %lt3A = arith.constant 2 : i32
    %lt3A_0 = vector.broadcast %lt3A : i32 to vector<16xi32>
    %lt3A_1 = arith.cmpi slt, %iota3A, %lt3A_0 : vector<16xi32>
    %mul3A = arith.constant 0 : i32
    %mul3A_2 = vector.broadcast %mul3A : i32 to vector<16xi32>
    %mul3A_3 = arith.muli %iota3A, %mul3A_2 : vector<16xi32>
    %add3A = arith.constant 1 : i32
    %add3A_4 = vector.broadcast %add3A : i32 to vector<16xi32>
    %add3A_5 = arith.addi %mul3A_3, %add3A_4 : vector<16xi32>
    %add3A_6 = arith.constant 2 : i32
    %add3A_7 = vector.broadcast %add3A_6 : i32 to vector<16xi32>
    %add3A_8 = arith.addi %mul3A_3, %add3A_7 : vector<16xi32>
    %eq3A = arith.constant 1 : i32
    %eq3A_9 = vector.broadcast %eq3A : i32 to vector<16xi32>
    %eq3A_10 = arith.cmpi eq, %iota3A, %eq3A_9 : vector<16xi32>
    %select_n3A = arith.select %eq3A_10, %add3A_5, %mul3A_3 : vector<16xi1>, vector<16xi32>
    %add3A_11 = arith.constant 1 : i32
    %add3A_12 = vector.broadcast %add3A_11 : i32 to vector<16xi32>
    %add3A_13 = arith.addi %iota3A, %add3A_12 : vector<16xi32>
    %select_n3A_14 = arith.select %lt3A_1, %add3A_13, %mul3A_3 : vector<16xi1>, vector<16xi32>
    %select_n3A_15 = arith.select %lt3A_1, %add3A_5, %mul3A_3 : vector<16xi1>, vector<16xi32>
    %gather3A = tpu.vector_load_idx %arg6[%select_n3A] : memref<64xi32, #tpu.memory_space<vmem>>[vector<16xi32>], vector<16xi32>,
    %gather3A_16 = tpu.vector_load_idx %arg6[%select_n3A_14] : memref<64xi32, #tpu.memory_space<vmem>>[vector<16xi32>], vector<16xi32>,
    %add3A_17 = arith.addi %gather3A_16, %select_n3A_15 : vector<16xi32>
    %mul3A_18 = arith.constant 3 : i32
    %mul3A_19 = vector.broadcast %mul3A_18 : i32 to vector<16xi32>
    %mul3A_20 = arith.muli %gather3A, %mul3A_19 : vector<16xi32>
    %mul3A_21 = arith.constant 3 : i32
    %mul3A_22 = vector.broadcast %mul3A_21 : i32 to vector<16xi32>
    %mul3A_23 = arith.muli %add3A_17, %mul3A_22 : vector<16xi32>
    %gather3A_24 = tpu.vector_load_idx %arg5[%mul3A_20] : memref<4608xf32, #tpu.memory_space<vmem>>[vector<16xi32>], vector<16xf32>,
    %gather3A_25 = tpu.vector_load_idx %arg5[%mul3A_23] : memref<4608xf32, #tpu.memory_space<vmem>>[vector<16xi32>], vector<16xf32>,
    %sub3A = arith.subf %gather3A_24, %gather3A_25 : vector<16xf32>
    %add3A_26 = arith.addi %mul3A_20, %add3A_5 : vector<16xi32>
    %gather3A_27 = tpu.vector_load_idx %arg5[%add3A_26] : memref<4608xf32, #tpu.memory_space<vmem>>[vector<16xi32>], vector<16xf32>,
    %add3A_28 = arith.addi %mul3A_23, %add3A_5 : vector<16xi32>
    %gather3A_29 = tpu.vector_load_idx %arg5[%add3A_28] : memref<4608xf32, #tpu.memory_space<vmem>>[vector<16xi32>], vector<16xf32>,
    %sub3A_30 = arith.subf %gather3A_27, %gather3A_29 : vector<16xf32>
    %add3A_31 = arith.addi %mul3A_20, %add3A_8 : vector<16xi32>
    %gather3A_32 = tpu.vector_load_idx %arg5[%add3A_31] : memref<4608xf32, #tpu.memory_space<vmem>>[vector<16xi32>], vector<16xf32>,
    %add3A_33 = arith.addi %mul3A_23, %add3A_8 : vector<16xi32>
    %gather3A_34 = tpu.vector_load_idx %arg5[%add3A_33] : memref<4608xf32, #tpu.memory_space<vmem>>[vector<16xi32>], vector<16xf32>,
    %sub3A_35 = arith.subf %gather3A_32, %gather3A_34 : vector<16xf32>
    %mul3A_36 = arith.mulf %sub3A, %sub3A : vector<16xf32>
    %mul3A_37 = arith.mulf %sub3A_30, %sub3A_30 : vector<16xf32>
    %add3A_38 = arith.addf %mul3A_36, %mul3A_37 : vector<16xf32>
    %mul3A_39 = arith.mulf %sub3A_35, %sub3A_35 : vector<16xf32>
    %add3A_40 = arith.addf %add3A_38, %mul3A_39 : vector<16xf32>
    %jit3A = arith.constant 1.000000e+00 : f32
    %broadcast_in_dim3A = vector.broadcast %jit3A : f32 to vector<16xf32>
    %select_n3A_41 = arith.select %lt3A_1, %add3A_40, %broadcast_in_dim3A : vector<16xi1>, vector<16xf32>
    %bitcast3A = vector.bitcast %select_n3A_41 : vector<16xf32> to vector<16xi32>
    %shift_right_logical3A = arith.shrui %bitcast3A, %add3A_5 : vector<16xi32>
    %sub3A_42 = arith.constant 1597463007 : i32
    %sub3A_43 = vector.broadcast %sub3A_42 : i32 to vector<16xi32>
    %sub3A_44 = arith.subi %sub3A_43, %shift_right_logical3A : vector<16xi32>
    %bitcast3A_45 = vector.bitcast %sub3A_44 : vector<16xi32> to vector<16xf32>
    %mul3A_46 = arith.constant 5.000000e-01 : f32
    %mul3A_47 = vector.broadcast %mul3A_46 : f32 to vector<16xf32>
    %mul3A_48 = arith.mulf %mul3A_47, %select_n3A_41 : vector<16xf32>
    %mul3A_49 = arith.mulf %mul3A_48, %bitcast3A_45 : vector<16xf32>
    %mul3A_50 = arith.mulf %mul3A_49, %bitcast3A_45 : vector<16xf32>
    %sub3A_51 = arith.constant 1.500000e+00 : f32
    %sub3A_52 = vector.broadcast %sub3A_51 : f32 to vector<16xf32>
    %sub3A_53 = arith.subf %sub3A_52, %mul3A_50 : vector<16xf32>
    %mul3A_54 = arith.mulf %bitcast3A_45, %sub3A_53 : vector<16xf32>
    %mul3A_55 = arith.constant 5.000000e-01 : f32
    %mul3A_56 = vector.broadcast %mul3A_55 : f32 to vector<16xf32>
    %mul3A_57 = arith.mulf %mul3A_56, %select_n3A_41 : vector<16xf32>
    %mul3A_58 = arith.mulf %mul3A_57, %mul3A_54 : vector<16xf32>
    %mul3A_59 = arith.mulf %mul3A_58, %mul3A_54 : vector<16xf32>
    %sub3A_60 = arith.constant 1.500000e+00 : f32
    %sub3A_61 = vector.broadcast %sub3A_60 : f32 to vector<16xf32>
    %sub3A_62 = arith.subf %sub3A_61, %mul3A_59 : vector<16xf32>
    %mul3A_63 = arith.mulf %mul3A_54, %sub3A_62 : vector<16xf32>
    %mul3A_64 = arith.mulf %select_n3A_41, %mul3A_63 : vector<16xf32>
    %sub3A_65 = arith.constant 4.000000e+00 : f32
    %sub3A_66 = vector.broadcast %sub3A_65 : f32 to vector<16xf32>
    %sub3A_67 = arith.subf %mul3A_64, %sub3A_66 : vector<16xf32>
    %mul3A_68 = arith.mulf %sub3A_67, %sub3A_67 : vector<16xf32>
    %mul3A_69 = arith.constant 5.000000e-01 : f32
    %mul3A_70 = vector.broadcast %mul3A_69 : f32 to vector<16xf32>
    %mul3A_71 = arith.mulf %mul3A_70, %mul3A_68 : vector<16xf32>
    %jit3A_72 = arith.constant 0.000000e+00 : f32
    %broadcast_in_dim3A_73 = vector.broadcast %jit3A_72 : f32 to vector<16xf32>
    %select_n3A_74 = arith.select %lt3A_1, %mul3A_71, %broadcast_in_dim3A_73 : vector<16xi1>, vector<16xf32>
    %swap3A = arith.constant 0 : index
    %swap3A_75 = tpu.vector_load %arg7[%swap3A] {strides = array<i32>} : memref<16xf32, #tpu.memory_space<vmem>>, vector<16xf32>,
    tpu.vector_store %arg7[%swap3A], %select_n3A_74 {strides = array<i32>} : memref<16xf32, #tpu.memory_space<vmem>>, vector<16xf32>,
    %add3A_76 = arith.constant 15 : i32
    %add3A_77 = vector.broadcast %add3A_76 : i32 to vector<16xi32>
    %add3A_78 = arith.addi %mul3A_3, %add3A_77 : vector<16xi32>
    %eq3A_79 = arith.constant 2 : i32
    %eq3A_80 = vector.broadcast %eq3A_79 : i32 to vector<16xi32>
    %eq3A_81 = arith.cmpi eq, %iota3A, %eq3A_80 : vector<16xi32>
    %select_n3A_82 = arith.select %eq3A_81, %add3A_5, %add3A_78 : vector<16xi1>, vector<16xi32>
    %select_n3A_83 = arith.select %lt3A_1, %mul3A_3, %select_n3A_82 : vector<16xi1>, vector<16xi32>
    %eq3A_84 = arith.constant 1 : i32
    %eq3A_85 = vector.broadcast %eq3A_84 : i32 to vector<16xi32>
    %eq3A_86 = arith.cmpi eq, %iota3A, %eq3A_85 : vector<16xi32>
    %select_n3A_87 = arith.select %eq3A_86, %add3A_5, %add3A_78 : vector<16xi1>, vector<16xi32>
    %gather3A_88 = tpu.vector_load_idx %arg7[%select_n3A_83] : memref<16xf32, #tpu.memory_space<vmem>>[vector<16xi32>], vector<16xf32>,
    %gather3A_89 = tpu.vector_load_idx %arg7[%select_n3A_87] : memref<16xf32, #tpu.memory_space<vmem>>[vector<16xi32>], vector<16xf32>,
    %add3A_90 = arith.addf %gather3A_88, %gather3A_89 : vector<16xf32>
    %jit3A_91 = arith.constant 5.000000e-02 : f32
    %jit3A_92 = arith.constant 0.000000e+00 : f32
    %broadcast_in_dim3A_93 = vector.broadcast %jit3A_91 : f32 to vector<16xf32>
    %broadcast_in_dim3A_94 = vector.broadcast %jit3A_92 : f32 to vector<16xf32>
    %select_n3A_95 = arith.select %lt3A_1, %broadcast_in_dim3A_93, %broadcast_in_dim3A_94 : vector<16xi1>, vector<16xf32>
    %add3A_96 = arith.addf %add3A_90, %select_n3A_95 : vector<16xf32>
    %broadcast_in_dim3A_97 = arith.constant 0.000000e+00 : f32
    %broadcast_in_dim3A_98 = vector.broadcast %broadcast_in_dim3A_97 : f32 to vector<16xf32>
    %swap3A_99 = arith.constant 0 : index
    %swap3A_100 = tpu.vector_load %arg8[%swap3A_99] {strides = array<i32>} : memref<64xf32, #tpu.memory_space<vmem>>, vector<16xf32>,
    tpu.vector_store %arg8[%swap3A_99], %add3A_96 {strides = array<i32>} : memref<64xf32, #tpu.memory_space<vmem>>, vector<16xf32>,
    %swap3A_101 = arith.constant 16 : index
    %swap3A_102 = tpu.vector_load %arg8[%swap3A_101] {strides = array<i32>} : memref<64xf32, #tpu.memory_space<vmem>>, vector<16xf32>,
    tpu.vector_store %arg8[%swap3A_101], %broadcast_in_dim3A_98 {strides = array<i32>} : memref<64xf32, #tpu.memory_space<vmem>>, vector<16xf32>,
    %swap3A_103 = arith.constant 32 : index
    %swap3A_104 = tpu.vector_load %arg8[%swap3A_103] {strides = array<i32>} : memref<64xf32, #tpu.memory_space<vmem>>, vector<16xf32>,
    tpu.vector_store %arg8[%swap3A_103], %broadcast_in_dim3A_98 {strides = array<i32>} : memref<64xf32, #tpu.memory_space<vmem>>, vector<16xf32>,
    %swap3A_105 = arith.constant 48 : index
    %swap3A_106 = tpu.vector_load %arg8[%swap3A_105] {strides = array<i32>} : memref<64xf32, #tpu.memory_space<vmem>>, vector<16xf32>,
    tpu.vector_store %arg8[%swap3A_105], %broadcast_in_dim3A_98 {strides = array<i32>} : memref<64xf32, #tpu.memory_space<vmem>>, vector<16xf32>,
    "tpu.region"() ({
      %run_scoped3A = tpu.sem_alloc : memref<!tpu.dma_semaphore, #tpu.memory_space<semaphore_mem>>
      tpu.enqueue_dma source(%arg8 : memref<64xf32, #tpu.memory_space<vmem>>) target(%arg4 : memref<64xf32, #tpu.memory_space<hbm>>) target_semaphore(%run_scoped3A : memref<!tpu.dma_semaphore, #tpu.memory_space<semaphore_mem>>)
      tpu.wait_dma2 semaphore(%run_scoped3A : memref<!tpu.dma_semaphore, #tpu.memory_space<semaphore_mem>>) src(%arg8 : memref<64xf32, #tpu.memory_space<vmem>>) dst(%arg4 : memref<64xf32, #tpu.memory_space<hbm>>)
      tpu.yield
    }) : () -> ()
    return
  }
}

</mosaic_0001>

<sc_bundles>
// kernel: kernel.3.cloned.1.call-start
scs
__scs_entry_jumppad:
0x0: {  	(pc) =	sbr.rel $0x88, $3  }
0x1: {  	(tag) =	ssettag $0x0;
	lr =	simm.s32 $0x1  }
0x2: {  	[smem:$0x3F9F] =	sst lr;
	_ =	strace $0xD0000000  }
0x3: {  	_ = 	snop  }
0x4: {  	_ = 	snop  }
0x5: {  	_ = 	snop  }
0x6: {  	_ = 	snop  }
0x7: {  	_ = 	snop  }
__scs_overlays_trampoline_lowered:
0x8: {  	[smem:$0x3FAE] =	sst s0  }
0x9: {  	[smem:$0x3FAF] =	sst s1  }
0xa: {  	[smem:$0x3FB0] =	sst s2  }
0xb: {  	[smem:$0x3FB1] =	sst s3  }
0xc: {  	[smem:$0x3FB2] =	sst s4  }
0xd: {  	[smem:$0x3FB3] =	sst s5  }
0xe: {  	[smem:$0x3FB4] =	sst s6  }
0xf: {  	[smem:$0x3FB5] =	sst s7  }
0x10: {  	[smem:$0x3FB6] =	sst s8  }
0x11: {  	[smem:$0x3FB7] =	sst s9;
	s0 =	simm.s32 @!p0 $0x0  }
0x12: {  	s1 =	sld [smem:$0x3F9D];
	s0 =	simm.s32 @p0 $0x1  }
0x13: {  	[smem:$0x3FB8] =	sst s0;
	s0 =	simm.s32 @!p1 $0x0  }
0x14: {  	s2 =	sld [smem:$0x3F9C];
	s0 =	simm.s32 @p1 $0x1  }
0x15: {  	[smem:$0x3FB9] =	sst s0;
	s0 =	simm.s32 @!p2 $0x0  }
0x16: {  	s3 =	sld [smem:$0x3FDB];
	s0 =	simm.s32 @p2 $0x1  }
0x17: {  	s4 =	simm.s32 $0x1BF5;
	[smem:$0x3FBB] =	sst s0  }
0x18: {  	s0 =	sld [smem:$0x3F9E];
	_ =	swait.ge [sflag:s4], $0x0  }
0x19: {  	s7 =	sld [smem:$0x3F9F]  }
0x1a: {  	s8 =	sadd.s32 $0xFFFFE003, lr  }
0x1b: {  	s9 =	sadd.s32 $0xFFFFFEF7, lr;
	s5 =	simm.s32 $0xFFFFFFFF;
	p2 =	slt.u32 s8, $0xFFFFF086  }
0x1c: {  	p1 =	slt.u32 s9, $0xF7A;
	s5 =	simm.s32 @!p2 $0x0  }
0x1d: {  	s5 =	simm.s32 @p1 $0x1;
	p0 =	seq.s32 s7, s2  }
0x1e: {  	s7 =	smul.u32 @!p0 $0xF7A, s2;
	p2 =	seq.s32 @!p0 s5, $0x0  }
0x1f: {  	s9 =	smul.u32 $0xF7A, s1;
	s8 =	simm.s32 @!p0 $0x1BF5;
	p2 =	por !p2, p0  }
0x20: {  	[sflag:s8] =	ssyncset.s32 @!p0 $0xFFFFF086;
	s6 =	sadd.s32 @!p0 s3, s7;
	s7 =	simm.s32 @!p0 $0x108  }
0x21: {  	s3 =	sadd.s32 s3, s9;
	s6 =	sadd.s32 @!p0 $0x88, s6;
	s7 =	simm.s32 @p2 $0x1082  }
0x22: {  	[simem:s7], [sflag:s8] =	dma.local @!p0 [hbm:s6], $0xF7A  }
0x23: {  	s9 =	sor.u32 $0xD0000000, s2;
	s6 =	simm.s32 $0x108;
	_ =	swait.ge @!p0 [sflag:s8], $0x0  }
0x24: {  	s3 =	sadd.s32 $0x88, s3;
	s6 =	simm.s32 @!p1 $0x1082;
	[sflag:s4] =	ssyncset.s32 $0xFFFFF086  }
0x25: {  	[simem:s6], [sflag:s4] =	dma.local [hbm:s3], $0xF7A  }
0x26: {  	[smem:$0x3F9F] =	sst s1;
	(tag) =	ssettag s2;
	_ =	strace s9  }
0x27: {  	s1 =	sld [smem:$0x3FAF]  }
0x28: {  	s2 =	sld [smem:$0x3FB0]  }
0x29: {  	s4 =	sld [smem:$0x3FB2]  }
0x2a: {  	p0 =	seq.s32 s5, $0x0;
	s5 =	sld [smem:$0x3FB3]  }
0x2b: {  	s6 =	sld [smem:$0x3FB4]  }
0x2c: {  	s7 =	sld [smem:$0x3FB5]  }
0x2d: {  	s3 =	simm.s32 $0x108;
	s8 =	sld [smem:$0x3FB6]  }
0x2e: {  	s3 =	simm.s32 @!p0 $0x1082;
	s9 =	sld [smem:$0x3FB7]  }
0x2f: {  	lr =	sadd.s32 s0, s3;
	s0 =	sld [smem:$0x3FAE]  }
0x30: {  	s3 =	sld [smem:$0x3FB1]  }
0x31: {  	[smem:$0x3FBA] =	sst s10  }
0x32: {  	s10 =	sld [smem:$0x3FB8];
	_ =	sdelay $0x3  }
0x33: {  	p0 =	seq.s32 s10, $0x1;
	s10 =	sld [smem:$0x3FBA];
	_ =	sdelay $0x3  }
0x34: {  	[smem:$0x3FBA] =	sst s10  }
0x35: {  	s10 =	sld [smem:$0x3FB9];
	_ =	sdelay $0x3  }
0x36: {  	p1 =	seq.s32 s10, $0x1;
	s10 =	sld [smem:$0x3FBA];
	_ =	sdelay $0x3  }
0x37: {  	[smem:$0x3FBA] =	sst s10  }
0x38: {  	s10 =	sld [smem:$0x3FBB]  }
0x39: {  	_ = 	snop;
	(pc) =	sbr.ind lr, $3  }
0x3a: {  	_ = 	snop  }
0x3b: {  	_ = 	snop  }
0x3c: {  	p2 =	seq.s32 s10, $0x1;
	s10 =	sld [smem:$0x3FBA]  }
0x3d: {  	_ =	shalt  }
0x3e: {  	_ =	shalt  }
0x3f: {  	_ =	shalt  }
0x40: {  	_ =	shalt  }
0x41: {  	_ =	shalt  }
0x42: {  	_ =	shalt  }
0x43: {  	_ =	shalt  }
0x44: {  	_ =	shalt  }
0x45: {  	_ =	shalt  }
0x46: {  	_ =	shalt  }
0x47: {  	_ =	shalt  }
0x48: {  	_ =	shalt  }
0x49: {  	_ =	shalt  }
0x4a: {  	_ =	shalt  }
0x4b: {  	_ =	shalt  }
0x4c: {  	_ =	shalt  }
0x4d: {  	_ =	shalt  }
0x4e: {  	_ =	shalt  }
0x4f: {  	_ =	shalt  }
0x50: {  	_ =	shalt  }
0x51: {  	_ =	shalt  }
0x52: {  	_ =	shalt  }
0x53: {  	_ =	shalt  }
0x54: {  	_ =	shalt  }
0x55: {  	_ =	shalt  }
0x56: {  	_ =	shalt  }
0x57: {  	_ =	shalt  }
0x58: {  	_ =	shalt  }
0x59: {  	_ =	shalt  }
0x5a: {  	_ =	shalt  }
0x5b: {  	_ =	shalt  }
0x5c: {  	_ =	shalt  }
0x5d: {  	_ =	shalt  }
0x5e: {  	_ =	shalt  }
0x5f: {  	_ =	shalt  }
0x60: {  	_ =	shalt  }
0x61: {  	_ =	shalt  }
0x62: {  	_ =	shalt  }
0x63: {  	_ =	shalt  }
0x64: {  	_ =	shalt  }
0x65: {  	_ =	shalt  }
0x66: {  	_ =	shalt  }
0x67: {  	_ =	shalt  }
0x68: {  	_ =	shalt  }
0x69: {  	_ =	shalt  }
0x6a: {  	_ =	shalt  }
0x6b: {  	_ =	shalt  }
0x6c: {  	_ =	shalt  }
0x6d: {  	_ =	shalt  }
0x6e: {  	_ =	shalt  }
0x6f: {  	_ =	shalt  }
0x70: {  	_ =	shalt  }
0x71: {  	_ =	shalt  }
0x72: {  	_ =	shalt  }
0x73: {  	_ =	shalt  }
0x74: {  	_ =	shalt  }
0x75: {  	_ =	shalt  }
0x76: {  	_ =	shalt  }
0x77: {  	_ =	shalt  }
0x78: {  	_ =	shalt  }
0x79: {  	_ =	shalt  }
0x7a: {  	_ =	shalt  }
0x7b: {  	_ =	shalt  }
0x7c: {  	_ =	shalt  }
0x7d: {  	_ =	shalt  }
0x7e: {  	_ =	shalt  }
0x7f: {  	_ =	shalt  }
0x80: {  	_ =	shalt  }
0x81: {  	_ =	shalt  }
0x82: {  	_ =	shalt  }
0x83: {  	_ =	shalt  }
0x84: {  	_ =	shalt  }
0x85: {  	_ =	shalt  }
0x86: {  	_ =	shalt  }
0x87: {  	_ =	shalt  }
.Lfunc_end0:
.L_simem_size_0:
called_computation_lowered:
.L_overlay_start_0:
0x88: {  	s0 =	sld [smem:$0x3FD9]  }
0x89: {  	s1 =	sld [smem:$0x3FFE];
	_ =	sdelay $0x3  }
0x8a: {  	s0 =	sadd.s32 s1, s0  }
0x8b: {  	[smem:$0x3FC6] =	sst s0  }
0x8c: {  	_ = 	snop  }
0x8d: {  	s0 =	sld [smem:$0x3FC8]  }
0x8e: {  	s16 =	sld [smem:$0x3FD0];
	(tm) =	ssettm $0x1  }
0x8f: {  	s2 =	sld [smem:$0x3FFB];
	_ =	sdelay $0x3  }
0x90: {  	_ =	strace s2  }
0x91: {  	s2 =	sld [smem:$0x3FFC];
	_ =	sdelay $0x3  }
0x92: {  	_ =	strace s2  }
0x93: {  	s2 =	sld [smem:$0x3FFD];
	_ =	sdelay $0x3  }
0x94: {  	_ =	strace s2  }
0x95: {  	_ =	strace $0x8FFFFFFF  }
0x96: {  	s17 =	sld [smem:$0x3FDB];
	_ =	sdelay $0x1  }
0x97: {  	s3 =	simm.s32 $_scs_section_size  }
0x98: {  	s4 =	simm.s32 $_size__tile_overlayer_lowered;
	s5 =	simm.s32 $_tile_overlayer_lowered  }
0x99: {  	s20 =	simm.s32 $0x1BFF;
	s19 =	sshll.u32 s5, $0x1;
	s2 =	sadd.s32 s3, s17  }
0x9a: {  	s6 =	simm.s32 $0x0;
	s18 =	sshll.u32 s4, $0x1;
	s4 =	sadd.s32 s19, s2  }
0x9b: {  	[timem:s6], [sflag:s20] =	dma.local [hbm:s4], s18  }
0x9c: {  	_ =	swait.ge [sflag:s20], s18  }
0x9d: {  	s3 =	ssub.s32 $0x0, s18;
	[sflag:s20] =	ssyncset.done $0x0  }
0x9e: {  	[sflag:s20] =	ssyncadd.s32 s3;
	_ =	sdelay $0x1  }
0x9f: {  	s21 =	simm.s32 $0x1B8B  }
0xa0: {  	_ =	swait.ge [sflag:s21], $0x1  }
0xa1: {  	[sflag:s21] =	ssyncset.done $0x0  }
0xa2: {  	s23 =	simm.s32 $0x1B8E;
	s22 =	sld [smem:$0x3FFE];
	[sflag:s21] =	ssyncadd.s32 $0xFFFFFFFF  }
0xa3: {  	s24 =	simm.s32 $execute0_lowered;
	[smem:$0x3FD2] =	sst s23  }
0xa4: {  	s4 =	sshll.u32 s24, $0x1;
	_ =	strace $0x80000046;
	[dreg:$0x1] =	wrdreg $0xFFFFFFFF  }
0xa5: {  	s25 =	simm.s32 $_size_execute0_lowered;
	s2 =	sadd.s32 s2, s4;
	[dreg:$0x0] =	wrdreg $0x0  }
0xa6: {  	s4 =	sshll.u32 s25, $0x1;
	[dreg:$0x2] =	wrdreg s2  }
0xa7: {  	[dreg:$0x3] =	wrdreg s4  }
0xa8: {  	[dreg:$0x4] =	wrdreg $0xC0  }
0xa9: {  	_ =	task [dreg:s6], $0x5FFFF  }
0xaa: {  	[dreg:$0x1] =	wrdreg $0xFFFFFFFF  }
0xab: {  	[dreg:$0x0] =	wrdreg $0x60  }
0xac: {  	[dreg:$0x2] =	wrdreg s22  }
0xad: {  	[dreg:$0x3] =	wrdreg s0  }
0xae: {  	[dreg:$0x4] =	wrdreg s16  }
0xaf: {  	[dreg:$0x5] =	wrdreg $0x9  }
0xb0: {  	_ =	task.clear_ibuf [dreg:s6], $0x6FFFF;
	_ =	strace $0x90000046  }
0xb1: {  	s26 =	simm.s32 $0x9;
	_ =	strace $0x80000048  }
0xb2: {  	_ =	swait.ge [sflag:s26], $0x1  }
0xb3: {  	[sflag:s26] =	ssyncadd.s32 $0xFFFFFFFF  }
0xb4: {  	_ =	strace $0x90000048  }
0xb5: {  	_ =	sfence  }
0xb6: {  	s28 =	sld [smem:$0x0];
	_ =	sdelay $0x1  }
0xb7: {  	s29 =	srdreg.scid  }
0xb8: {  	s30 =	sshll.u32 s29, $0xD;
	s31 =	sshrl.u32 s29, $0x2  }
0xb9: {  	s1 =	sand.u32 $0x1, s29;
	s2 =	sand.u32 $0x4000, s30;
	s0 =	sadd.s32 s31, s28  }
0xba: {  	s1 =	sor.u32 s2, s1;
	s0 =	sshll.u32 s0, $0x11  }
0xbb: {  	s0 =	sor.u32 s0, s1  }
0xbc: {  	s0 =	sadd.s32 $0x8F2B, s0  }
0xbd: {  	[sflag:s0] =	ssyncadd.remote.s32 $0x1  }
0xbe: {  	_ =	sfence.sel $0xFFFF  }
0xbf: {  	[dreg:$0x0] =	wrdreg $0xFFFFFFFF;
	(pc) =	sbr.abs _section_cstart, $3  }
0xc0: {  	[dreg:$0x1] =	wrdreg $0xFFFFFFFF  }
0xc1: {  	_ =	task.clear_ibuf [dreg:s6], $0x2FFFF;
	_ =	strace $0x9FFFFFFF  }
0xc2: {  	(tm) =	ssettm $0x7FFFFFFF  }
0xc3: {  	_ =	shalt  }
tec
execute0_lowered:
.L_overlay_start_1:
0x0: {  	(tag) =	ssettag $0x1  }
0x1: {  	s4 =	stileid.u32  }
0x2: {  	p0 =	sne.s32 s4, $0x0  }
.Ltmp0:
0x3: {  	_ = 	snop;
	(pc) =	sbr.rel @p0 .LBB2_2-.Ltmp0, $4  }
0x4: {  	s2 =	rddreg [dreg:$0x0]  }
0x5: {  	s3 =	rddreg [dreg:$0x1]  }
0x6: {  	s1 =	rddreg [dreg:$0x2]  }
0x7: {  	s0 =	rddreg [dreg:$0x3];
	_ =	strace $0x80000047  }
0x8: {  	s4 =	sadd.s32 $0x400, s2;
	s24 =	simm.s32 $0x0  }
0x9: {  	[tilespmem:s24], [sflag:$0x1] =	stream.linear.gather [hbm4b:s4+s24], $0x1200, $0x38;
	[tilespmem:$0x1380] =	vst v63  }
0xa: {  	s25 =	simm.s32 $0x1200;
	s26 =	simm.s32 $0x2  }
0xb: {  	v0 =	vimm.s32 $0x201;
	[tilespmem:s25], [sflag:$0x2] =	stream.linear.gather [hbm4b:s3+s24], $0x80, $0x38;
	[tilespmem:$0x1380] =	vst v63  }
0xc: {  	vm0 =	vcmask $0x704;
	v1 =	vimm.s32 $0x0;
	v0 =	vunpack.c.0.s8.s32 v0;
	_ =	swait.ge [sflag:s26], $0x80  }
0xd: {  	vm1 =	vcmask $0xF00;
	v2 =	vsel vm0, $0x1, v1;
	[sflag:s26] =	ssyncset.done $0x0  }
0xe: {  	s28 =	simm.s32 $0x1;
	v0 =	vnsel vm1, $0x0, v0;
	[sflag:s26] =	ssyncadd.s32 $0xFFFFFF80  }
0xf: {  	_ =	swait.ge [sflag:s28], $0x1200  }
0x10: {  	[sflag:s28] =	ssyncset.done $0x0  }
0x11: {  	[sflag:s28] =	ssyncadd.s32 $0xFFFFEE00  }
0x12: {  	v2 =	vld.idx.msk [tilespmem:v2+s25+$0x0], $0xffff  }
0x13: {  	v0 =	vld.idx.msk [tilespmem:v0+s25+$0x0], $0xffff;
	_ =	sdelay $0x4  }
0x14: {  	vm2 =	vcmask $0x700;
	v2 =	vmul.u32 $0x3, v2;
	v0 =	vmul.u32 $0x3, v0  }
0x15: {  	v1 =	vsel vm2, $0x3, v1  }
0x16: {  	v3 =	vimm.s32 $0x1;
	v1 =	vadd.s32 v1, v0  }
0x17: {  	v3 =	vsel vm2, $0x4, v3;
	v4 =	vadd.s32 $0x1, v2  }
0x18: {  	v5 =	vimm.s32 $0x2;
	v3 =	vadd.s32 v3, v0  }
0x19: {  	v5 =	vsel vm2, $0x5, v5;
	v6 =	vadd.s32 $0x2, v2  }
0x1a: {  	v0 =	vadd.s32 v5, v0;
	v2 =	vld.idx.msk [tilespmem:v2+s24+$0x0], $0xffff  }
0x1b: {  	v1 =	vld.idx.msk [tilespmem:v1+s24+$0x0], $0xffff  }
0x1c: {  	v4 =	vld.idx.msk [tilespmem:v4+s24+$0x0], $0xffff  }
0x1d: {  	v3 =	vld.idx.msk [tilespmem:v3+s24+$0x0], $0xffff  }
0x1e: {  	v54 =	vld.idx.msk [tilespmem:v6+s24+$0x0], $0xffff  }
0x1f: {  	v0 =	vld.idx.msk [tilespmem:v0+s24+$0x0], $0xffff;
	_ =	sdelay $0x2  }
0x20: {  	v1 =	vsub.f32 v2, v1;
	v55 =	vsub.f32 v4, v3;
	_ =	sdelay $0x1  }
0x21: {  	v0 =	vsub.f32 v54, v0;
	v1 =	vmul.f32 v1, v1;
	v2 =	vmul.f32 v55, v55;
	_ =	sdelay $0x1  }
0x22: {  	v0 =	vmul.f32 v0, v0;
	v1 =	vadd.f32 v2, v1;
	_ =	sdelay $0x1  }
0x23: {  	v0 =	vadd.f32 v0, v1  }
0x24: {  	vm3 =	vmmov $0x3  }
0x25: {  	v0 =	vnsel vm3, $0x3F800000, v0  }
0x26: {  	v56 =	vshrl.u32 v0, $0x1;
	v57 =	vmul.f32 $5.000000000e-01, v0  }
0x27: {  	v1 =	vsub.s32 $0x5F3759DF, v56  }
0x28: {  	v58 =	vmul.f32 v1, v57;
	_ =	sdelay $0x1  }
0x29: {  	v3 =	vmul.f32 v1, v58;
	_ =	sdelay $0x1  }
0x2a: {  	v3 =	vsub.f32 $1.500000000e+00, v3;
	_ =	sdelay $0x1  }
0x2b: {  	v1 =	vmul.f32 v1, v3;
	_ =	sdelay $0x1  }
0x2c: {  	v2 =	vmul.f32 v1, v57;
	_ =	sdelay $0x1  }
0x2d: {  	v2 =	vmul.f32 v2, v1;
	_ =	sdelay $0x1  }
0x2e: {  	v2 =	vsub.f32 $1.500000000e+00, v2;
	_ =	sdelay $0x1  }
0x2f: {  	v1 =	vmul.f32 v2, v1;
	_ =	sdelay $0x1  }
0x30: {  	v0 =	vmul.f32 v1, v0;
	_ =	sdelay $0x1  }
0x31: {  	v59 =	vimm.s32 $0xF010000;
	v0 =	vadd.f32 $-4.000000000e+00, v0  }
0x32: {  	v1 =	vunpack.c.0.s8.s32 v59  }
0x33: {  	v0 =	vmul.f32 v0, v0  }
0x34: {  	v60 =	vimm.s32 $0xF;
	v1 =	vnsel vm1, $0xF, v1  }
0x35: {  	v2 =	vsel vm0, $0x1, v60;
	v0 =	vmul.f32 $5.000000000e-01, v0;
	_ =	sdelay $0x1  }
0x36: {  	v0 =	vnsel vm3, $0x0, v0  }
0x37: {  	s29 =	simm.s32 $0x1280;
	[tilespmem:$0x1280] =	vst v0  }
0x38: {  	v0 =	vld.idx.msk [tilespmem:v1+s29+$0x0], $0xffff  }
0x39: {  	v61 =	vld.idx.msk [tilespmem:v2+s29+$0x0], $0xffff;
	_ =	sdelay $0x4  }
0x3a: {  	v62 =	vimm.f32 $0.0e+00;
	v0 =	vadd.f32 v61, v0  }
0x3b: {  	v63 =	vsel vm2, $0x3D4CCCCD, v62;
	[tilespmem:$0x1310] =	vst v62  }
0x3c: {  	[tilespmem:$0x1320] =	vst v62;
	v0 =	vadd.f32 v63, v0  }
0x3d: {  	[tilespmem:$0x1330] =	vst v62  }
0x3e: {  	s30 =	simm.s32 $0x1300;
	s31 =	simm.s32 $0x3;
	[tilespmem:$0x1300] =	vst v0  }
0x3f: {  	[hbm4b:s1+s24] =	stream.linear.scatter [tilespmem:s30], [sflag:$0x3], $0x80, $0x38;
	[tilespmem:$0x1380] =	vst v63  }
0x40: {  	_ =	swait.ge [sflag:s31], $0x80  }
0x41: {  	[sflag:s31] =	ssyncset.done $0x0  }
0x42: {  	[sflag:s31] =	ssyncadd.s32 $0xFFFFFF80  }
.LBB2_2:
0x43: {  	_ =	sfence.sel $0x180000  }
0x44: {  	[bflag:$0x0] =	sbarrier.arrive $0xFFFF  }
0x45: {  	_ =	strace $0x90000047  }
0x46: {  	s0 =	sadd.s32 @!p0 $0x100000, s0;
	[bflag:$0x2] =	sbarrier.arrive $0xFFFF  }
0x47: {  	[sflag:s0] =	ssyncadd.tile.s32 @!p0 $0x1;
	_ =	shalt  }
.Lfunc_end2:
_tile_overlayer_lowered:
.L_overlay_start_2:
0x48: {  	(tag) =	ssettag $0x2  }
0x49: {  	s0 =	rddreg [dreg:$0x0];
	s2 =	stileid.u32  }
0x4a: {  	s1 =	rddreg [dreg:$0x1];
	p0 =	sne.s32 s2, $0x0  }
0x4b: {  	s3 =	rddreg [dreg:$0x2];
	[bflag:$0x3] =	sbarrier.arrive $0xFFFF;
	s2 =	simm.s32 @!p0 $0x1C03  }
0x4c: {  	[timem:s3], [sflag:s2] =	dma.local @!p0 [hbm:s0], s1  }
0x4d: {  	s0 =	simm.s32 @!p0 $0x3  }
0x4e: {  	_ =	swait.ge @!p0 [sflag:s0], s1  }
0x4f: {  	s1 =	ssub.s32 @!p0 $0x0, s1;
	[sflag:s0] =	ssyncset.done @!p0 $0x0  }
0x50: {  	[sflag:s0] =	ssyncadd.s32 @!p0 s1  }
0x51: {  	[bflag:$0x3] =	sbarrier.arrive $0xFFFF  }
0x52: {  	_ =	shalt  }

</sc_bundles>
